<compile_context>
chip_gen: v7x
topology: tpu7x:2x2x1
jax: 0.10.2.dev20260603
libtpu: 0.0.44.dev20260713+nightly
codegen_flags: <defaults>
</compile_context>

<pallas_src>
import functools

import jax
import jax.numpy as jnp
from jax import lax
from jax.experimental import pallas as pl
from jax.experimental.pallas import tpu as pltpu
from jax.experimental.pallas import tpu_sc as plsc

_INPUT_SIZE = 100000
_N = 2 * _INPUT_SIZE
_D = 64
_HIDDEN = 128
_OUT = 128
_BATCH = 16384

_NC, _NS = 2, 16
_NW = _NC * _NS
_B2 = 2 * _BATCH
_BPW = _B2 // _NW
_GCHUNK = 256
_NCHUNK = _BPW // _GCHUNK

_BN = 8192
_BB = 2048


def _tc_table_matmul(embT, W1, b1):

    def body(embT_ref, w1_ref, b1_ref, y_ref):
        y = lax.dot_general(
            embT_ref[...].astype(jnp.bfloat16),
            w1_ref[...].astype(jnp.bfloat16),
            dimension_numbers=(((0,), (0,)), ((), ())),
            preferred_element_type=jnp.float32,
        )
        y_ref[...] = y + 0.5 * b1_ref[...]

    return pl.pallas_call(
        body,
        grid=(pl.cdiv(_N, _BN),),
        in_specs=[
            pl.BlockSpec((_D, _BN), lambda i: (0, i)),
            pl.BlockSpec((_D, _HIDDEN), lambda i: (0, 0)),
            pl.BlockSpec((1, _HIDDEN), lambda i: (0, 0)),
        ],
        out_specs=pl.BlockSpec((_BN, _HIDDEN), lambda i: (i, 0)),
        out_shape=jax.ShapeDtypeStruct((_N, _HIDDEN), jnp.float32),
    )(embT, W1, b1)


def _sc_gather(y, idx):
    mesh = plsc.VectorSubcoreMesh(core_axis_name="c", subcore_axis_name="s")

    @functools.partial(
        pl.kernel,
        out_type=jax.ShapeDtypeStruct((_B2, _HIDDEN), jnp.float32),
        mesh=mesh,
        scratch_types=[
            pltpu.VMEM((_GCHUNK,), jnp.int32),
            pltpu.VMEM((_GCHUNK,), jnp.int32),
            pltpu.VMEM((_GCHUNK, _HIDDEN), jnp.float32),
            pltpu.VMEM((_GCHUNK, _HIDDEN), jnp.float32),
            pltpu.SemaphoreType.DMA,
            pltpu.SemaphoreType.DMA,
            pltpu.SemaphoreType.DMA,
            pltpu.SemaphoreType.DMA,
        ],
    )
    def k(y_hbm, idx_hbm, out_hbm, idx_v0, idx_v1, rows_v0, rows_v1,
          g_sem0, g_sem1, w_sem0, w_sem1):
        wid = lax.axis_index("s") * _NC + lax.axis_index("c")
        base = wid * _BPW
        idx_bufs = (idx_v0, idx_v1)
        row_bufs = (rows_v0, rows_v1)
        g_sems = (g_sem0, g_sem1)
        w_sems = (w_sem0, w_sem1)
        writes = [None, None]
        for c in range(_NCHUNK):
            b = c % 2
            if writes[b] is not None:
                writes[b].wait()
            lo = base + c * _GCHUNK
            pltpu.sync_copy(idx_hbm.at[pl.ds(lo, _GCHUNK)], idx_bufs[b])
            pltpu.async_copy(y_hbm.at[idx_bufs[b]], row_bufs[b],
                             g_sems[b]).wait()
            writes[b] = pltpu.async_copy(
                row_bufs[b], out_hbm.at[pl.ds(lo, _GCHUNK)], w_sems[b])
        writes[0].wait()
        writes[1].wait()

    return k(y, idx)


def _tc_pair_mlp(g, W2, b2):

    def body(g0_ref, g1_ref, w2_ref, b2_ref, o_ref):
        h = g0_ref[...] + g1_ref[...]
        h = h * h
        o = jnp.dot(h.astype(jnp.bfloat16), w2_ref[...].astype(jnp.bfloat16),
                    preferred_element_type=jnp.float32)
        o_ref[...] = o + b2_ref[...]

    nblk = _BATCH // _BB
    return pl.pallas_call(
        body,
        grid=(nblk,),
        in_specs=[
            pl.BlockSpec((_BB, _HIDDEN), lambda i: (i, 0)),
            pl.BlockSpec((_BB, _HIDDEN), lambda i: (i + nblk, 0)),
            pl.BlockSpec((_HIDDEN, _OUT), lambda i: (0, 0)),
            pl.BlockSpec((1, _OUT), lambda i: (0, 0)),
        ],
        out_specs=pl.BlockSpec((_BB, _OUT), lambda i: (i, 0)),
        out_shape=jax.ShapeDtypeStruct((_BATCH, _OUT), jnp.float32),
    )(g, g, W2, b2)


def kernel(x, emb, W1, b1, W2, b2):
    idx = jnp.concatenate([x[:, 0], x[:, 1] + _INPUT_SIZE])
    y = _tc_table_matmul(emb.T, W1, b1.reshape(1, _HIDDEN))
    g = _sc_gather(y, idx)
    out0 = _tc_pair_mlp(g, W2, b2.reshape(1, _OUT))
    return (out0,)

# --- scband reference (transcript-rebuilt; emitter-appended) ---
"""Pipeline reference for scband-modular-addition-nn-7138235646457 (READ-ONLY COPY).

The authoritative reference and input builder live on the scoring server;
editing this copy changes nothing except your own understanding.
"""

import jax, jax.numpy as jnp
import numpy as np

INPUT_SIZE = 100000
D = 64
HIDDEN = 128
OUT = 128
BATCH = 16384


def setup_inputs(seed: int = 0) -> dict:
    key = jax.random.key(seed)
    ks = jax.random.split(key, 8)
    x = jax.random.randint(ks[0], (BATCH, 2), 0, INPUT_SIZE, dtype=jnp.int32)
    emb = jax.random.normal(ks[1], (2 * INPUT_SIZE, D), dtype=jnp.float32)
    W1 = jax.random.normal(ks[2], (D, HIDDEN), dtype=jnp.float32) * (1.0 / np.sqrt(D))
    b1 = jnp.zeros((HIDDEN,), dtype=jnp.float32)
    W2 = jax.random.normal(ks[3], (HIDDEN, OUT), dtype=jnp.float32) * (1.0 / np.sqrt(HIDDEN))
    b2 = jnp.zeros((OUT,), dtype=jnp.float32)
    return {"x": x, "emb": emb, "W1": W1, "b1": b1, "W2": W2, "b2": b2}


def reference(x, emb, W1, b1, W2, b2):
    # h = embedding(x[:,0]) + embedding(x[:,1] + input_size)
    h = jnp.take(emb, x[:, 0], axis=0) + jnp.take(emb, x[:, 1] + INPUT_SIZE, axis=0)
    h = h @ W1 + b1
    # activation == 'sqr'
    h = h * h
    out0 = h @ W2 + b2
    return (out0,)

if __name__ == "__main__":
    import jax
    _d = setup_inputs()
    print(jax.jit(kernel)(*tuple(_d.values())))

</pallas_src>

<mosaic_0001>
#map = affine_map<(d0, d1) -> (0, 0)>
#map1 = affine_map<(d0, d1) -> (0)>
module attributes {stable_mosaic.version = 14 : i64} {
  func.func @k(%arg0: i32, %arg1: i32, %arg2: memref<200000x128xf32, #tpu.memory_space<hbm>>, %arg3: memref<32768xi32, #tpu.memory_space<hbm>>, %arg4: memref<32768x128xf32, #tpu.memory_space<hbm>>, %arg5: memref<256xi32, #tpu.memory_space<vmem>>, %arg6: memref<256xi32, #tpu.memory_space<vmem>>, %arg7: memref<256x128xf32, #tpu.memory_space<vmem>>, %arg8: memref<256x128xf32, #tpu.memory_space<vmem>>, %arg9: memref<!tpu.dma_semaphore, #tpu.memory_space<semaphore_mem>>, %arg10: memref<!tpu.dma_semaphore, #tpu.memory_space<semaphore_mem>>, %arg11: memref<!tpu.dma_semaphore, #tpu.memory_space<semaphore_mem>>, %arg12: memref<!tpu.dma_semaphore, #tpu.memory_space<semaphore_mem>>) attributes {dimension_semantics = [#tpu.dimension_semantics<core_parallel>, #tpu.dimension_semantics<subcore_parallel>], iteration_bounds = array<i64: 2, 16>, scalar_prefetch = 0 : i64, scratch_operands = 8 : i64, tpu.core_type = #tpu.core_type<sc_vector_subcore>, window_params = [{transform_indices = #map}, {transform_indices = #map1}, {transform_indices = #map}]} {
    %mul3A = arith.constant 2 : i32
    %mul3A_0 = arith.muli %arg1, %mul3A : i32
    %add3A = arith.addi %mul3A_0, %arg0 : i32
    %mul3A_1 = arith.constant 1024 : i32
    %mul3A_2 = arith.muli %add3A, %mul3A_1 : i32
    %add3A_3 = arith.constant 0 : i32
    %add3A_4 = arith.addi %mul3A_2, %add3A_3 : i32
    "tpu.region"() ({
      %run_scoped3A = tpu.sem_alloc : memref<!tpu.dma_semaphore, #tpu.memory_space<semaphore_mem>>
      %dma_start3A_65 = tpu.memref_slice %arg3[%add3A_4] : memref<32768xi32, #tpu.memory_space<hbm>> -> memref<256xi32, #tpu.memory_space<hbm>>
      %dma_start3A_66 = tpu.memref_slice %arg3[%add3A_4] : memref<32768xi32, #tpu.memory_space<hbm>> -> memref<256xi32, #tpu.memory_space<hbm>>
      tpu.enqueue_dma source(%dma_start3A_66 : memref<256xi32, #tpu.memory_space<hbm>>) target(%arg5 : memref<256xi32, #tpu.memory_space<vmem>>) target_semaphore(%run_scoped3A : memref<!tpu.dma_semaphore, #tpu.memory_space<semaphore_mem>>)
      %dma_wait3A_67 = tpu.memref_slice %arg3[%add3A_4] : memref<32768xi32, #tpu.memory_space<hbm>> -> memref<256xi32, #tpu.memory_space<hbm>>
      %dma_wait3A_68 = tpu.memref_slice %arg3[%add3A_4] : memref<32768xi32, #tpu.memory_space<hbm>> -> memref<256xi32, #tpu.memory_space<hbm>>
      tpu.wait_dma2 semaphore(%run_scoped3A : memref<!tpu.dma_semaphore, #tpu.memory_space<semaphore_mem>>) src(%dma_wait3A_68 : memref<256xi32, #tpu.memory_space<hbm>>) dst(%arg5 : memref<256xi32, #tpu.memory_space<vmem>>)
      tpu.yield
    }) : () -> ()
    %dma_start3A = arith.constant 0 : i32
    %dma_start3A_5 = arith.constant 0 : i32
    %dma_start3A_6 = tpu.memref_slice %arg2[%dma_start3A, %dma_start3A_5] : memref<200000x128xf32, #tpu.memory_space<hbm>> -> memref<200000x128xf32, #tpu.memory_space<hbm>>
    tpu.enqueue_indirect_dma source(%dma_start3A_6 : memref<200000x128xf32, #tpu.memory_space<hbm>>) target(%arg7 : memref<256x128xf32, #tpu.memory_space<vmem>>) offsets(%arg5 : memref<256xi32, #tpu.memory_space<vmem>>) semaphore(%arg9 : memref<!tpu.dma_semaphore, #tpu.memory_space<semaphore_mem>>)
    %dma_wait3A = arith.constant 0 : i32
    %dma_wait3A_7 = arith.constant 0 : i32
    %dma_wait3A_8 = tpu.memref_slice %arg2[%dma_wait3A, %dma_wait3A_7] : memref<200000x128xf32, #tpu.memory_space<hbm>> -> memref<200000x128xf32, #tpu.memory_space<hbm>>
    tpu.wait_indirect_dma semaphore(%arg9 : memref<!tpu.dma_semaphore, #tpu.memory_space<semaphore_mem>>) src(%dma_wait3A_8 : memref<200000x128xf32, #tpu.memory_space<hbm>>) dst(%arg7 : memref<256x128xf32, #tpu.memory_space<vmem>>)
    %dma_start3A_9 = arith.constant 0 : i32
    %dma_start3A_10 = tpu.memref_slice %arg4[%add3A_4, %dma_start3A_9] : memref<32768x128xf32, #tpu.memory_space<hbm>> -> memref<256x128xf32, #tpu.memory_space<hbm>>
    %dma_start3A_11 = arith.constant 0 : i32
    %dma_start3A_12 = tpu.memref_slice %arg4[%add3A_4, %dma_start3A_11] : memref<32768x128xf32, #tpu.memory_space<hbm>> -> memref<256x128xf32, #tpu.memory_space<hbm>>
    tpu.enqueue_dma source(%arg7 : memref<256x128xf32, #tpu.memory_space<vmem>>) target(%dma_start3A_12 : memref<256x128xf32, #tpu.memory_space<hbm>>) target_semaphore(%arg11 : memref<!tpu.dma_semaphore, #tpu.memory_space<semaphore_mem>>)
    %add3A_13 = arith.constant 256 : i32
    %add3A_14 = arith.addi %mul3A_2, %add3A_13 : i32
    "tpu.region"() ({
      %run_scoped3A = tpu.sem_alloc : memref<!tpu.dma_semaphore, #tpu.memory_space<semaphore_mem>>
      %dma_start3A_65 = tpu.memref_slice %arg3[%add3A_14] : memref<32768xi32, #tpu.memory_space<hbm>> -> memref<256xi32, #tpu.memory_space<hbm>>
      %dma_start3A_66 = tpu.memref_slice %arg3[%add3A_14] : memref<32768xi32, #tpu.memory_space<hbm>> -> memref<256xi32, #tpu.memory_space<hbm>>
      tpu.enqueue_dma source(%dma_start3A_66 : memref<256xi32, #tpu.memory_space<hbm>>) target(%arg6 : memref<256xi32, #tpu.memory_space<vmem>>) target_semaphore(%run_scoped3A : memref<!tpu.dma_semaphore, #tpu.memory_space<semaphore_mem>>)
      %dma_wait3A_67 = tpu.memref_slice %arg3[%add3A_14] : memref<32768xi32, #tpu.memory_space<hbm>> -> memref<256xi32, #tpu.memory_space<hbm>>
      %dma_wait3A_68 = tpu.memref_slice %arg3[%add3A_14] : memref<32768xi32, #tpu.memory_space<hbm>> -> memref<256xi32, #tpu.memory_space<hbm>>
      tpu.wait_dma2 semaphore(%run_scoped3A : memref<!tpu.dma_semaphore, #tpu.memory_space<semaphore_mem>>) src(%dma_wait3A_68 : memref<256xi32, #tpu.memory_space<hbm>>) dst(%arg6 : memref<256xi32, #tpu.memory_space<vmem>>)
      tpu.yield
    }) : () -> ()
    %dma_start3A_15 = arith.constant 0 : i32
    %dma_start3A_16 = arith.constant 0 : i32
    %dma_start3A_17 = tpu.memref_slice %arg2[%dma_start3A_15, %dma_start3A_16] : memref<200000x128xf32, #tpu.memory_space<hbm>> -> memref<200000x128xf32, #tpu.memory_space<hbm>>
    tpu.enqueue_indirect_dma source(%dma_start3A_17 : memref<200000x128xf32, #tpu.memory_space<hbm>>) target(%arg8 : memref<256x128xf32, #tpu.memory_space<vmem>>) offsets(%arg6 : memref<256xi32, #tpu.memory_space<vmem>>) semaphore(%arg10 : memref<!tpu.dma_semaphore, #tpu.memory_space<semaphore_mem>>)
    %dma_wait3A_18 = arith.constant 0 : i32
    %dma_wait3A_19 = arith.constant 0 : i32
    %dma_wait3A_20 = tpu.memref_slice %arg2[%dma_wait3A_18, %dma_wait3A_19] : memref<200000x128xf32, #tpu.memory_space<hbm>> -> memref<200000x128xf32, #tpu.memory_space<hbm>>
    tpu.wait_indirect_dma semaphore(%arg10 : memref<!tpu.dma_semaphore, #tpu.memory_space<semaphore_mem>>) src(%dma_wait3A_20 : memref<200000x128xf32, #tpu.memory_space<hbm>>) dst(%arg8 : memref<256x128xf32, #tpu.memory_space<vmem>>)
    %dma_start3A_21 = arith.constant 0 : i32
    %dma_start3A_22 = tpu.memref_slice %arg4[%add3A_14, %dma_start3A_21] : memref<32768x128xf32, #tpu.memory_space<hbm>> -> memref<256x128xf32, #tpu.memory_space<hbm>>
    %dma_start3A_23 = arith.constant 0 : i32
    %dma_start3A_24 = tpu.memref_slice %arg4[%add3A_14, %dma_start3A_23] : memref<32768x128xf32, #tpu.memory_space<hbm>> -> memref<256x128xf32, #tpu.memory_space<hbm>>
    tpu.enqueue_dma source(%arg8 : memref<256x128xf32, #tpu.memory_space<vmem>>) target(%dma_start3A_24 : memref<256x128xf32, #tpu.memory_space<hbm>>) target_semaphore(%arg12 : memref<!tpu.dma_semaphore, #tpu.memory_space<semaphore_mem>>)
    %dma_wait3A_25 = arith.constant 0 : i32
    %dma_wait3A_26 = tpu.memref_slice %arg4[%add3A_4, %dma_wait3A_25] : memref<32768x128xf32, #tpu.memory_space<hbm>> -> memref<256x128xf32, #tpu.memory_space<hbm>>
    %dma_wait3A_27 = arith.constant 0 : i32
    %dma_wait3A_28 = tpu.memref_slice %arg4[%add3A_4, %dma_wait3A_27] : memref<32768x128xf32, #tpu.memory_space<hbm>> -> memref<256x128xf32, #tpu.memory_space<hbm>>
    tpu.wait_dma2 semaphore(%arg11 : memref<!tpu.dma_semaphore, #tpu.memory_space<semaphore_mem>>) src(%arg7 : memref<256x128xf32, #tpu.memory_space<vmem>>) dst(%dma_wait3A_28 : memref<256x128xf32, #tpu.memory_space<hbm>>)
    %add3A_29 = arith.constant 512 : i32
    %add3A_30 = arith.addi %mul3A_2, %add3A_29 : i32
    "tpu.region"() ({
      %run_scoped3A = tpu.sem_alloc : memref<!tpu.dma_semaphore, #tpu.memory_space<semaphore_mem>>
      %dma_start3A_65 = tpu.memref_slice %arg3[%add3A_30] : memref<32768xi32, #tpu.memory_space<hbm>> -> memref<256xi32, #tpu.memory_space<hbm>>
      %dma_start3A_66 = tpu.memref_slice %arg3[%add3A_30] : memref<32768xi32, #tpu.memory_space<hbm>> -> memref<256xi32, #tpu.memory_space<hbm>>
      tpu.enqueue_dma source(%dma_start3A_66 : memref<256xi32, #tpu.memory_space<hbm>>) target(%arg5 : memref<256xi32, #tpu.memory_space<vmem>>) target_semaphore(%run_scoped3A : memref<!tpu.dma_semaphore, #tpu.memory_space<semaphore_mem>>)
      %dma_wait3A_67 = tpu.memref_slice %arg3[%add3A_30] : memref<32768xi32, #tpu.memory_space<hbm>> -> memref<256xi32, #tpu.memory_space<hbm>>
      %dma_wait3A_68 = tpu.memref_slice %arg3[%add3A_30] : memref<32768xi32, #tpu.memory_space<hbm>> -> memref<256xi32, #tpu.memory_space<hbm>>
      tpu.wait_dma2 semaphore(%run_scoped3A : memref<!tpu.dma_semaphore, #tpu.memory_space<semaphore_mem>>) src(%dma_wait3A_68 : memref<256xi32, #tpu.memory_space<hbm>>) dst(%arg5 : memref<256xi32, #tpu.memory_space<vmem>>)
      tpu.yield
    }) : () -> ()
    %dma_start3A_31 = arith.constant 0 : i32
    %dma_start3A_32 = arith.constant 0 : i32
    %dma_start3A_33 = tpu.memref_slice %arg2[%dma_start3A_31, %dma_start3A_32] : memref<200000x128xf32, #tpu.memory_space<hbm>> -> memref<200000x128xf32, #tpu.memory_space<hbm>>
    tpu.enqueue_indirect_dma source(%dma_start3A_33 : memref<200000x128xf32, #tpu.memory_space<hbm>>) target(%arg7 : memref<256x128xf32, #tpu.memory_space<vmem>>) offsets(%arg5 : memref<256xi32, #tpu.memory_space<vmem>>) semaphore(%arg9 : memref<!tpu.dma_semaphore, #tpu.memory_space<semaphore_mem>>)
    %dma_wait3A_34 = arith.constant 0 : i32
    %dma_wait3A_35 = arith.constant 0 : i32
    %dma_wait3A_36 = tpu.memref_slice %arg2[%dma_wait3A_34, %dma_wait3A_35] : memref<200000x128xf32, #tpu.memory_space<hbm>> -> memref<200000x128xf32, #tpu.memory_space<hbm>>
    tpu.wait_indirect_dma semaphore(%arg9 : memref<!tpu.dma_semaphore, #tpu.memory_space<semaphore_mem>>) src(%dma_wait3A_36 : memref<200000x128xf32, #tpu.memory_space<hbm>>) dst(%arg7 : memref<256x128xf32, #tpu.memory_space<vmem>>)
    %dma_start3A_37 = arith.constant 0 : i32
    %dma_start3A_38 = tpu.memref_slice %arg4[%add3A_30, %dma_start3A_37] : memref<32768x128xf32, #tpu.memory_space<hbm>> -> memref<256x128xf32, #tpu.memory_space<hbm>>
    %dma_start3A_39 = arith.constant 0 : i32
    %dma_start3A_40 = tpu.memref_slice %arg4[%add3A_30, %dma_start3A_39] : memref<32768x128xf32, #tpu.memory_space<hbm>> -> memref<256x128xf32, #tpu.memory_space<hbm>>
    tpu.enqueue_dma source(%arg7 : memref<256x128xf32, #tpu.memory_space<vmem>>) target(%dma_start3A_40 : memref<256x128xf32, #tpu.memory_space<hbm>>) target_semaphore(%arg11 : memref<!tpu.dma_semaphore, #tpu.memory_space<semaphore_mem>>)
    %dma_wait3A_41 = arith.constant 0 : i32
    %dma_wait3A_42 = tpu.memref_slice %arg4[%add3A_14, %dma_wait3A_41] : memref<32768x128xf32, #tpu.memory_space<hbm>> -> memref<256x128xf32, #tpu.memory_space<hbm>>
    %dma_wait3A_43 = arith.constant 0 : i32
    %dma_wait3A_44 = tpu.memref_slice %arg4[%add3A_14, %dma_wait3A_43] : memref<32768x128xf32, #tpu.memory_space<hbm>> -> memref<256x128xf32, #tpu.memory_space<hbm>>
    tpu.wait_dma2 semaphore(%arg12 : memref<!tpu.dma_semaphore, #tpu.memory_space<semaphore_mem>>) src(%arg8 : memref<256x128xf32, #tpu.memory_space<vmem>>) dst(%dma_wait3A_44 : memref<256x128xf32, #tpu.memory_space<hbm>>)
    %add3A_45 = arith.constant 768 : i32
    %add3A_46 = arith.addi %mul3A_2, %add3A_45 : i32
    "tpu.region"() ({
      %run_scoped3A = tpu.sem_alloc : memref<!tpu.dma_semaphore, #tpu.memory_space<semaphore_mem>>
      %dma_start3A_65 = tpu.memref_slice %arg3[%add3A_46] : memref<32768xi32, #tpu.memory_space<hbm>> -> memref<256xi32, #tpu.memory_space<hbm>>
      %dma_start3A_66 = tpu.memref_slice %arg3[%add3A_46] : memref<32768xi32, #tpu.memory_space<hbm>> -> memref<256xi32, #tpu.memory_space<hbm>>
      tpu.enqueue_dma source(%dma_start3A_66 : memref<256xi32, #tpu.memory_space<hbm>>) target(%arg6 : memref<256xi32, #tpu.memory_space<vmem>>) target_semaphore(%run_scoped3A : memref<!tpu.dma_semaphore, #tpu.memory_space<semaphore_mem>>)
      %dma_wait3A_67 = tpu.memref_slice %arg3[%add3A_46] : memref<32768xi32, #tpu.memory_space<hbm>> -> memref<256xi32, #tpu.memory_space<hbm>>
      %dma_wait3A_68 = tpu.memref_slice %arg3[%add3A_46] : memref<32768xi32, #tpu.memory_space<hbm>> -> memref<256xi32, #tpu.memory_space<hbm>>
      tpu.wait_dma2 semaphore(%run_scoped3A : memref<!tpu.dma_semaphore, #tpu.memory_space<semaphore_mem>>) src(%dma_wait3A_68 : memref<256xi32, #tpu.memory_space<hbm>>) dst(%arg6 : memref<256xi32, #tpu.memory_space<vmem>>)
      tpu.yield
    }) : () -> ()
    %dma_start3A_47 = arith.constant 0 : i32
    %dma_start3A_48 = arith.constant 0 : i32
    %dma_start3A_49 = tpu.memref_slice %arg2[%dma_start3A_47, %dma_start3A_48] : memref<200000x128xf32, #tpu.memory_space<hbm>> -> memref<200000x128xf32, #tpu.memory_space<hbm>>
    tpu.enqueue_indirect_dma source(%dma_start3A_49 : memref<200000x128xf32, #tpu.memory_space<hbm>>) target(%arg8 : memref<256x128xf32, #tpu.memory_space<vmem>>) offsets(%arg6 : memref<256xi32, #tpu.memory_space<vmem>>) semaphore(%arg10 : memref<!tpu.dma_semaphore, #tpu.memory_space<semaphore_mem>>)
    %dma_wait3A_50 = arith.constant 0 : i32
    %dma_wait3A_51 = arith.constant 0 : i32
    %dma_wait3A_52 = tpu.memref_slice %arg2[%dma_wait3A_50, %dma_wait3A_51] : memref<200000x128xf32, #tpu.memory_space<hbm>> -> memref<200000x128xf32, #tpu.memory_space<hbm>>
    tpu.wait_indirect_dma semaphore(%arg10 : memref<!tpu.dma_semaphore, #tpu.memory_space<semaphore_mem>>) src(%dma_wait3A_52 : memref<200000x128xf32, #tpu.memory_space<hbm>>) dst(%arg8 : memref<256x128xf32, #tpu.memory_space<vmem>>)
    %dma_start3A_53 = arith.constant 0 : i32
    %dma_start3A_54 = tpu.memref_slice %arg4[%add3A_46, %dma_start3A_53] : memref<32768x128xf32, #tpu.memory_space<hbm>> -> memref<256x128xf32, #tpu.memory_space<hbm>>
    %dma_start3A_55 = arith.constant 0 : i32
    %dma_start3A_56 = tpu.memref_slice %arg4[%add3A_46, %dma_start3A_55] : memref<32768x128xf32, #tpu.memory_space<hbm>> -> memref<256x128xf32, #tpu.memory_space<hbm>>
    tpu.enqueue_dma source(%arg8 : memref<256x128xf32, #tpu.memory_space<vmem>>) target(%dma_start3A_56 : memref<256x128xf32, #tpu.memory_space<hbm>>) target_semaphore(%arg12 : memref<!tpu.dma_semaphore, #tpu.memory_space<semaphore_mem>>)
    %dma_wait3A_57 = arith.constant 0 : i32
    %dma_wait3A_58 = tpu.memref_slice %arg4[%add3A_30, %dma_wait3A_57] : memref<32768x128xf32, #tpu.memory_space<hbm>> -> memref<256x128xf32, #tpu.memory_space<hbm>>
    %dma_wait3A_59 = arith.constant 0 : i32
    %dma_wait3A_60 = tpu.memref_slice %arg4[%add3A_30, %dma_wait3A_59] : memref<32768x128xf32, #tpu.memory_space<hbm>> -> memref<256x128xf32, #tpu.memory_space<hbm>>
    tpu.wait_dma2 semaphore(%arg11 : memref<!tpu.dma_semaphore, #tpu.memory_space<semaphore_mem>>) src(%arg7 : memref<256x128xf32, #tpu.memory_space<vmem>>) dst(%dma_wait3A_60 : memref<256x128xf32, #tpu.memory_space<hbm>>)
    %dma_wait3A_61 = arith.constant 0 : i32
    %dma_wait3A_62 = tpu.memref_slice %arg4[%add3A_46, %dma_wait3A_61] : memref<32768x128xf32, #tpu.memory_space<hbm>> -> memref<256x128xf32, #tpu.memory_space<hbm>>
    %dma_wait3A_63 = arith.constant 0 : i32
    %dma_wait3A_64 = tpu.memref_slice %arg4[%add3A_46, %dma_wait3A_63] : memref<32768x128xf32, #tpu.memory_space<hbm>> -> memref<256x128xf32, #tpu.memory_space<hbm>>
    tpu.wait_dma2 semaphore(%arg12 : memref<!tpu.dma_semaphore, #tpu.memory_space<semaphore_mem>>) src(%arg8 : memref<256x128xf32, #tpu.memory_space<vmem>>) dst(%dma_wait3A_64 : memref<256x128xf32, #tpu.memory_space<hbm>>)
    return
  }
}

module attributes {stable_mosaic.version = 14 : i64} {
  func.func @body(%arg0: i32, %arg1: memref<2048x128xf32, #tpu.memory_space<vmem>>, %arg2: memref<2048x128xf32, #tpu.memory_space<vmem>>, %arg3: memref<128x128xf32, #tpu.memory_space<vmem>>, %arg4: memref<1x128xf32, #tpu.memory_space<vmem>>, %arg5: memref<2048x128xf32, #tpu.memory_space<vmem>>) attributes {dimension_semantics = [#tpu.dimension_semantics<arbitrary>], iteration_bounds = array<i64: 8>, scalar_prefetch = 0 : i64, scratch_operands = 0 : i64, tpu.core_type = #tpu.core_type<tc>, window_params = [{transform_indices = @transform_0, window_bounds = array<i64: 2048, 128>}, {transform_indices = @transform_1, window_bounds = array<i64: 2048, 128>}, {pipeline_mode = #tpu.pipeline_mode<synchronous>, transform_indices = @transform_2, window_bounds = array<i64: 128, 128>}, {pipeline_mode = #tpu.pipeline_mode<synchronous>, transform_indices = @transform_3, window_bounds = array<i64: 1, 128>}, {transform_indices = @transform_4, window_bounds = array<i64: 2048, 128>}]} {
    %get3A = arith.constant 0 : index
    %get3A_0 = arith.constant 0 : index
    %get3A_1 = vector.load %arg1[%get3A, %get3A_0] : memref<2048x128xf32, #tpu.memory_space<vmem>>, vector<2048x128xf32>
    %get3A_2 = arith.constant 0 : index
    %get3A_3 = arith.constant 0 : index
    %get3A_4 = vector.load %arg2[%get3A_2, %get3A_3] : memref<2048x128xf32, #tpu.memory_space<vmem>>, vector<2048x128xf32>
    %add3A = arith.addf %get3A_1, %get3A_4 : vector<2048x128xf32>
    %mul3A = arith.mulf %add3A, %add3A : vector<2048x128xf32>
    %convert_element_type3A = arith.truncf %mul3A : vector<2048x128xf32> to vector<2048x128xbf16>
    %get3A_5 = arith.constant 0 : index
    %get3A_6 = arith.constant 0 : index
    %get3A_7 = vector.load %arg3[%get3A_5, %get3A_6] : memref<128x128xf32, #tpu.memory_space<vmem>>, vector<128x128xf32>
    %convert_element_type3A_8 = arith.truncf %get3A_7 : vector<128x128xf32> to vector<128x128xbf16>
    %dot_general3A = arith.constant dense<0.000000e+00> : vector<2048x128xf32>
    %dot_general3A_9 = tpu.matmul %convert_element_type3A, %convert_element_type3A_8, %dot_general3A {dimension_numbers = #tpu.dot_dimension_numbers<[1], [0], [0], [1], [0, 0, 1, 1], [], []>, transpose_lhs_hint = false} : vector<2048x128xbf16>, vector<128x128xbf16>, vector<2048x128xf32> -> vector<2048x128xf32>
    %get3A_10 = arith.constant 0 : index
    %get3A_11 = arith.constant 0 : index
    %get3A_12 = vector.load %arg4[%get3A_10, %get3A_11] : memref<1x128xf32, #tpu.memory_space<vmem>>, vector<1x128xf32>
    %add3A_13 = vector.broadcast %get3A_12 : vector<1x128xf32> to vector<2048x128xf32>
    %add3A_14 = arith.addf %dot_general3A_9, %add3A_13 : vector<2048x128xf32>
    %swap3A = arith.constant 0 : index
    %swap3A_15 = arith.constant 0 : index
    %swap3A_16 = vector.load %arg5[%swap3A, %swap3A_15] : memref<2048x128xf32, #tpu.memory_space<vmem>>, vector<2048x128xf32>
    tpu.vector_store %arg5[%swap3A, %swap3A_15], %add3A_14 {strides = array<i32>} : memref<2048x128xf32, #tpu.memory_space<vmem>>, vector<2048x128xf32>,
    return
  }
  func.func @transform_0(%arg0: i32) -> (i32, i32) {
    %c0_i32 = arith.constant 0 : i32
    %c0_i32_0 = arith.constant 0 : i32
    return %arg0, %c0_i32 : i32, i32
  }
  func.func @transform_1(%arg0: i32) -> (i32, i32) {
    %add3A = arith.constant 8 : i32
    %add3A_0 = arith.addi %arg0, %add3A : i32
    %c0_i32 = arith.constant 0 : i32
    %c0_i32_1 = arith.constant 0 : i32
    return %add3A_0, %c0_i32 : i32, i32
  }
  func.func @transform_2(%arg0: i32) -> (i32, i32) {
    %c0_i32 = arith.constant 0 : i32
    %c0_i32_0 = arith.constant 0 : i32
    %c0_i32_1 = arith.constant 0 : i32
    return %c0_i32, %c0_i32_0 : i32, i32
  }
  func.func @transform_3(%arg0: i32) -> (i32, i32) {
    %c0_i32 = arith.constant 0 : i32
    %c0_i32_0 = arith.constant 0 : i32
    %c0_i32_1 = arith.constant 0 : i32
    return %c0_i32, %c0_i32_0 : i32, i32
  }
  func.func @transform_4(%arg0: i32) -> (i32, i32) {
    %c0_i32 = arith.constant 0 : i32
    %c0_i32_0 = arith.constant 0 : i32
    return %arg0, %c0_i32 : i32, i32
  }
}

module attributes {stable_mosaic.version = 14 : i64} {
  func.func @body(%arg0: i32, %arg1: memref<64x8192xf32, #tpu.memory_space<vmem>>, %arg2: memref<64x128xf32, #tpu.memory_space<vmem>>, %arg3: memref<1x128xf32, #tpu.memory_space<vmem>>, %arg4: memref<8192x128xf32, #tpu.memory_space<vmem>>) attributes {dimension_semantics = [#tpu.dimension_semantics<arbitrary>], iteration_bounds = array<i64: 25>, scalar_prefetch = 0 : i64, scratch_operands = 0 : i64, tpu.core_type = #tpu.core_type<tc>, window_params = [{transform_indices = @transform_0, window_bounds = array<i64: 64, 8192>}, {pipeline_mode = #tpu.pipeline_mode<synchronous>, transform_indices = @transform_1, window_bounds = array<i64: 64, 128>}, {pipeline_mode = #tpu.pipeline_mode<synchronous>, transform_indices = @transform_2, window_bounds = array<i64: 1, 128>}, {transform_indices = @transform_3, window_bounds = array<i64: 8192, 128>}]} {
    %get3A = arith.constant 0 : index
    %get3A_0 = arith.constant 0 : index
    %get3A_1 = vector.load %arg1[%get3A, %get3A_0] : memref<64x8192xf32, #tpu.memory_space<vmem>>, vector<64x8192xf32>
    %convert_element_type3A = arith.truncf %get3A_1 : vector<64x8192xf32> to vector<64x8192xbf16>
    %get3A_2 = arith.constant 0 : index
    %get3A_3 = arith.constant 0 : index
    %get3A_4 = vector.load %arg2[%get3A_2, %get3A_3] : memref<64x128xf32, #tpu.memory_space<vmem>>, vector<64x128xf32>
    %convert_element_type3A_5 = arith.truncf %get3A_4 : vector<64x128xf32> to vector<64x128xbf16>
    %dot_general3A = arith.constant dense<0.000000e+00> : vector<8192x128xf32>
    %dot_general3A_6 = tpu.matmul %convert_element_type3A, %convert_element_type3A_5, %dot_general3A {dimension_numbers = #tpu.dot_dimension_numbers<[0], [0], [1], [1], [0, 1, 1, 1], [], []>, transpose_lhs_hint = false} : vector<64x8192xbf16>, vector<64x128xbf16>, vector<8192x128xf32> -> vector<8192x128xf32>
    %get3A_7 = arith.constant 0 : index
    %get3A_8 = arith.constant 0 : index
    %get3A_9 = vector.load %arg3[%get3A_7, %get3A_8] : memref<1x128xf32, #tpu.memory_space<vmem>>, vector<1x128xf32>
    %mul3A = arith.constant 5.000000e-01 : f32
    %mul3A_10 = vector.broadcast %mul3A : f32 to vector<1x128xf32>
    %mul3A_11 = arith.mulf %mul3A_10, %get3A_9 : vector<1x128xf32>
    %add3A = vector.broadcast %mul3A_11 : vector<1x128xf32> to vector<8192x128xf32>
    %add3A_12 = arith.addf %dot_general3A_6, %add3A : vector<8192x128xf32>
    %swap3A = arith.constant 0 : index
    %swap3A_13 = arith.constant 0 : index
    %swap3A_14 = vector.load %arg4[%swap3A, %swap3A_13] : memref<8192x128xf32, #tpu.memory_space<vmem>>, vector<8192x128xf32>
    tpu.vector_store %arg4[%swap3A, %swap3A_13], %add3A_12 {strides = array<i32>} : memref<8192x128xf32, #tpu.memory_space<vmem>>, vector<8192x128xf32>,
    return
  }
  func.func @transform_0(%arg0: i32) -> (i32, i32) {
    %c0_i32 = arith.constant 0 : i32
    %c0_i32_0 = arith.constant 0 : i32
    return %c0_i32, %arg0 : i32, i32
  }
  func.func @transform_1(%arg0: i32) -> (i32, i32) {
    %c0_i32 = arith.constant 0 : i32
    %c0_i32_0 = arith.constant 0 : i32
    %c0_i32_1 = arith.constant 0 : i32
    return %c0_i32, %c0_i32_0 : i32, i32
  }
  func.func @transform_2(%arg0: i32) -> (i32, i32) {
    %c0_i32 = arith.constant 0 : i32
    %c0_i32_0 = arith.constant 0 : i32
    %c0_i32_1 = arith.constant 0 : i32
    return %c0_i32, %c0_i32_0 : i32, i32
  }
  func.func @transform_3(%arg0: i32) -> (i32, i32) {
    %c0_i32 = arith.constant 0 : i32
    %c0_i32_0 = arith.constant 0 : i32
    return %arg0, %c0_i32 : i32, i32
  }
}

</mosaic_0001>

<sc_bundles>
// kernel: kernel.5.cloned.1.call-start
scs
__scs_entry_jumppad:
0x0: {  	(pc) =	sbr.rel $0x88, $3  }
0x1: {  	(tag) =	ssettag $0x0;
	lr =	simm.s32 $0x1  }
0x2: {  	[smem:$0x3F9B] =	sst lr;
	_ =	strace $0xD0000000  }
0x3: {  	_ = 	snop  }
0x4: {  	_ = 	snop  }
0x5: {  	_ = 	snop  }
0x6: {  	_ = 	snop  }
0x7: {  	_ = 	snop  }
__scs_overlays_trampoline_lowered:
0x8: {  	[smem:$0x3FAA] =	sst s0  }
0x9: {  	[smem:$0x3FAB] =	sst s1  }
0xa: {  	[smem:$0x3FAC] =	sst s2  }
0xb: {  	[smem:$0x3FAD] =	sst s3  }
0xc: {  	[smem:$0x3FAE] =	sst s4  }
0xd: {  	[smem:$0x3FAF] =	sst s5  }
0xe: {  	[smem:$0x3FB0] =	sst s6  }
0xf: {  	[smem:$0x3FB1] =	sst s7  }
0x10: {  	[smem:$0x3FB2] =	sst s8  }
0x11: {  	[smem:$0x3FB3] =	sst s9;
	s0 =	simm.s32 @!p0 $0x0  }
0x12: {  	s1 =	sld [smem:$0x3F99];
	s0 =	simm.s32 @p0 $0x1  }
0x13: {  	[smem:$0x3FB4] =	sst s0;
	s0 =	simm.s32 @!p1 $0x0  }
0x14: {  	s2 =	sld [smem:$0x3F98];
	s0 =	simm.s32 @p1 $0x1  }
0x15: {  	[smem:$0x3FB5] =	sst s0;
	s0 =	simm.s32 @!p2 $0x0  }
0x16: {  	s3 =	sld [smem:$0x3FDB];
	s0 =	simm.s32 @p2 $0x1  }
0x17: {  	s4 =	simm.s32 $0x1BF5;
	[smem:$0x3FB7] =	sst s0  }
0x18: {  	s0 =	sld [smem:$0x3F9A];
	_ =	swait.ge [sflag:s4], $0x0  }
0x19: {  	s7 =	sld [smem:$0x3F9B]  }
0x1a: {  	s8 =	sadd.s32 $0xFFFFE003, lr  }
0x1b: {  	s9 =	sadd.s32 $0xFFFFFEF7, lr;
	s5 =	simm.s32 $0xFFFFFFFF;
	p2 =	slt.u32 s8, $0xFFFFF086  }
0x1c: {  	p1 =	slt.u32 s9, $0xF7A;
	s5 =	simm.s32 @!p2 $0x0  }
0x1d: {  	s5 =	simm.s32 @p1 $0x1;
	p0 =	seq.s32 s7, s2  }
0x1e: {  	s7 =	smul.u32 @!p0 $0xF7A, s2;
	p2 =	seq.s32 @!p0 s5, $0x0  }
0x1f: {  	s9 =	smul.u32 $0xF7A, s1;
	s8 =	simm.s32 @!p0 $0x1BF5;
	p2 =	por !p2, p0  }
0x20: {  	[sflag:s8] =	ssyncset.s32 @!p0 $0xFFFFF086;
	s6 =	sadd.s32 @!p0 s3, s7;
	s7 =	simm.s32 @!p0 $0x108  }
0x21: {  	s3 =	sadd.s32 s3, s9;
	s6 =	sadd.s32 @!p0 $0x88, s6;
	s7 =	simm.s32 @p2 $0x1082  }
0x22: {  	[simem:s7], [sflag:s8] =	dma.local @!p0 [hbm:s6], $0xF7A  }
0x23: {  	s9 =	sor.u32 $0xD0000000, s2;
	s6 =	simm.s32 $0x108;
	_ =	swait.ge @!p0 [sflag:s8], $0x0  }
0x24: {  	s3 =	sadd.s32 $0x88, s3;
	s6 =	simm.s32 @!p1 $0x1082;
	[sflag:s4] =	ssyncset.s32 $0xFFFFF086  }
0x25: {  	[simem:s6], [sflag:s4] =	dma.local [hbm:s3], $0xF7A  }
0x26: {  	[smem:$0x3F9B] =	sst s1;
	(tag) =	ssettag s2;
	_ =	strace s9  }
0x27: {  	s1 =	sld [smem:$0x3FAB]  }
0x28: {  	s2 =	sld [smem:$0x3FAC]  }
0x29: {  	s4 =	sld [smem:$0x3FAE]  }
0x2a: {  	p0 =	seq.s32 s5, $0x0;
	s5 =	sld [smem:$0x3FAF]  }
0x2b: {  	s6 =	sld [smem:$0x3FB0]  }
0x2c: {  	s7 =	sld [smem:$0x3FB1]  }
0x2d: {  	s3 =	simm.s32 $0x108;
	s8 =	sld [smem:$0x3FB2]  }
0x2e: {  	s3 =	simm.s32 @!p0 $0x1082;
	s9 =	sld [smem:$0x3FB3]  }
0x2f: {  	lr =	sadd.s32 s0, s3;
	s0 =	sld [smem:$0x3FAA]  }
0x30: {  	s3 =	sld [smem:$0x3FAD]  }
0x31: {  	[smem:$0x3FB6] =	sst s10  }
0x32: {  	s10 =	sld [smem:$0x3FB4];
	_ =	sdelay $0x3  }
0x33: {  	p0 =	seq.s32 s10, $0x1;
	s10 =	sld [smem:$0x3FB6];
	_ =	sdelay $0x3  }
0x34: {  	[smem:$0x3FB6] =	sst s10  }
0x35: {  	s10 =	sld [smem:$0x3FB5];
	_ =	sdelay $0x3  }
0x36: {  	p1 =	seq.s32 s10, $0x1;
	s10 =	sld [smem:$0x3FB6];
	_ =	sdelay $0x3  }
0x37: {  	[smem:$0x3FB6] =	sst s10  }
0x38: {  	s10 =	sld [smem:$0x3FB7]  }
0x39: {  	_ = 	snop;
	(pc) =	sbr.ind lr, $3  }
0x3a: {  	_ = 	snop  }
0x3b: {  	_ = 	snop  }
0x3c: {  	p2 =	seq.s32 s10, $0x1;
	s10 =	sld [smem:$0x3FB6]  }
0x3d: {  	_ =	shalt  }
0x3e: {  	_ =	shalt  }
0x3f: {  	_ =	shalt  }
0x40: {  	_ =	shalt  }
0x41: {  	_ =	shalt  }
0x42: {  	_ =	shalt  }
0x43: {  	_ =	shalt  }
0x44: {  	_ =	shalt  }
0x45: {  	_ =	shalt  }
0x46: {  	_ =	shalt  }
0x47: {  	_ =	shalt  }
0x48: {  	_ =	shalt  }
0x49: {  	_ =	shalt  }
0x4a: {  	_ =	shalt  }
0x4b: {  	_ =	shalt  }
0x4c: {  	_ =	shalt  }
0x4d: {  	_ =	shalt  }
0x4e: {  	_ =	shalt  }
0x4f: {  	_ =	shalt  }
0x50: {  	_ =	shalt  }
0x51: {  	_ =	shalt  }
0x52: {  	_ =	shalt  }
0x53: {  	_ =	shalt  }
0x54: {  	_ =	shalt  }
0x55: {  	_ =	shalt  }
0x56: {  	_ =	shalt  }
0x57: {  	_ =	shalt  }
0x58: {  	_ =	shalt  }
0x59: {  	_ =	shalt  }
0x5a: {  	_ =	shalt  }
0x5b: {  	_ =	shalt  }
0x5c: {  	_ =	shalt  }
0x5d: {  	_ =	shalt  }
0x5e: {  	_ =	shalt  }
0x5f: {  	_ =	shalt  }
0x60: {  	_ =	shalt  }
0x61: {  	_ =	shalt  }
0x62: {  	_ =	shalt  }
0x63: {  	_ =	shalt  }
0x64: {  	_ =	shalt  }
0x65: {  	_ =	shalt  }
0x66: {  	_ =	shalt  }
0x67: {  	_ =	shalt  }
0x68: {  	_ =	shalt  }
0x69: {  	_ =	shalt  }
0x6a: {  	_ =	shalt  }
0x6b: {  	_ =	shalt  }
0x6c: {  	_ =	shalt  }
0x6d: {  	_ =	shalt  }
0x6e: {  	_ =	shalt  }
0x6f: {  	_ =	shalt  }
0x70: {  	_ =	shalt  }
0x71: {  	_ =	shalt  }
0x72: {  	_ =	shalt  }
0x73: {  	_ =	shalt  }
0x74: {  	_ =	shalt  }
0x75: {  	_ =	shalt  }
0x76: {  	_ =	shalt  }
0x77: {  	_ =	shalt  }
0x78: {  	_ =	shalt  }
0x79: {  	_ =	shalt  }
0x7a: {  	_ =	shalt  }
0x7b: {  	_ =	shalt  }
0x7c: {  	_ =	shalt  }
0x7d: {  	_ =	shalt  }
0x7e: {  	_ =	shalt  }
0x7f: {  	_ =	shalt  }
0x80: {  	_ =	shalt  }
0x81: {  	_ =	shalt  }
0x82: {  	_ =	shalt  }
0x83: {  	_ =	shalt  }
0x84: {  	_ =	shalt  }
0x85: {  	_ =	shalt  }
0x86: {  	_ =	shalt  }
0x87: {  	_ =	shalt  }
.Lfunc_end0:
.L_simem_size_0:
called_computation_lowered:
.L_overlay_start_0:
0x88: {  	s2 =	sld [smem:$0x3FD9]  }
0x89: {  	s3 =	sld [smem:$0x3FFE];
	_ =	sdelay $0x1  }
0x8a: {  	s1 =	srdreg.scid  }
0x8b: {  	s0 =	sand.u32 $0x1, s1  }
0x8c: {  	s17 =	sshll.u32 s0, $0xA;
	s2 =	sadd.s32 s3, s2  }
0x8d: {  	s2 =	sadd.s32 s2, s17  }
0x8e: {  	[smem:$0x3FC2] =	sst s2  }
0x8f: {  	_ = 	snop  }
0x90: {  	s2 =	sld [smem:$0x3FD0];
	(tm) =	ssettm $0x1  }
0x91: {  	s18 =	sld [smem:$0x3FFB];
	_ =	sdelay $0x3  }
0x92: {  	_ =	strace s18  }
0x93: {  	s3 =	sld [smem:$0x3FFC];
	_ =	sdelay $0x3  }
0x94: {  	_ =	strace s3  }
0x95: {  	s3 =	sld [smem:$0x3FFD];
	_ =	sdelay $0x3  }
0x96: {  	_ =	strace s3  }
0x97: {  	_ =	strace $0x8FFFFFFF  }
0x98: {  	s19 =	sld [smem:$0x3FDB];
	_ =	sdelay $0x1  }
0x99: {  	s4 =	simm.s32 $_scs_section_size  }
0x9a: {  	s5 =	simm.s32 $_size__tile_overlayer_lowered;
	s6 =	simm.s32 $_tile_overlayer_lowered  }
0x9b: {  	s22 =	simm.s32 $0x1BFF;
	s21 =	sshll.u32 s6, $0x1;
	s3 =	sadd.s32 s4, s19  }
0x9c: {  	s7 =	simm.s32 $0x0;
	s20 =	sshll.u32 s5, $0x1;
	s5 =	sadd.s32 s21, s3  }
0x9d: {  	[timem:s7], [sflag:s22] =	dma.local [hbm:s5], s20  }
0x9e: {  	_ =	swait.ge [sflag:s22], s20  }
0x9f: {  	s4 =	ssub.s32 $0x0, s20;
	[sflag:s22] =	ssyncset.done $0x0  }
0xa0: {  	[sflag:s22] =	ssyncadd.s32 s4;
	_ =	sdelay $0x1  }
0xa1: {  	s23 =	simm.s32 $0x1B8B  }
0xa2: {  	_ =	swait.ge [sflag:s23], $0x1  }
0xa3: {  	[sflag:s23] =	ssyncset.done $0x0  }
0xa4: {  	s25 =	simm.s32 $0x1B8E;
	s24 =	sld [smem:$0x3FFE];
	[sflag:s23] =	ssyncadd.s32 $0xFFFFFFFF  }
0xa5: {  	s26 =	simm.s32 $execute0_lowered;
	[smem:$0x3FD2] =	sst s25  }
0xa6: {  	s5 =	sshll.u32 s26, $0x1;
	_ =	strace $0x80000046;
	[dreg:$0x1] =	wrdreg $0xFFFFFFFF  }
0xa7: {  	s28 =	simm.s32 $_size_execute0_lowered;
	s3 =	sadd.s32 s3, s5;
	[dreg:$0x0] =	wrdreg $0x0  }
0xa8: {  	s5 =	sshll.u32 s28, $0x1;
	[dreg:$0x2] =	wrdreg s3  }
0xa9: {  	[dreg:$0x3] =	wrdreg s5  }
0xaa: {  	[dreg:$0x4] =	wrdreg $0xC0  }
0xab: {  	_ =	task [dreg:s7], $0x5FFFF  }
0xac: {  	[dreg:$0x1] =	wrdreg $0xFFFFFFFF  }
0xad: {  	[dreg:$0x0] =	wrdreg $0x60  }
0xae: {  	[dreg:$0x2] =	wrdreg s24  }
0xaf: {  	[dreg:$0x3] =	wrdreg s2  }
0xb0: {  	[dreg:$0x4] =	wrdreg $0x9  }
0xb1: {  	_ =	task.clear_ibuf [dreg:s7], $0x5FFFF;
	_ =	strace $0x90000046  }
0xb2: {  	s29 =	simm.s32 $0x9;
	_ =	strace $0x80000048  }
0xb3: {  	_ =	swait.ge [sflag:s29], $0x1  }
0xb4: {  	[sflag:s29] =	ssyncadd.s32 $0xFFFFFFFF  }
0xb5: {  	_ =	strace $0x90000048  }
0xb6: {  	_ =	sfence  }
0xb7: {  	s30 =	sld [smem:$0x0];
	_ =	sdelay $0x2  }
0xb8: {  	s31 =	sshll.u32 s1, $0xD;
	s1 =	sshrl.u32 s1, $0x2  }
0xb9: {  	s3 =	sand.u32 $0x4000, s31;
	s1 =	sadd.s32 s1, s30  }
0xba: {  	s0 =	sor.u32 s3, s0;
	s1 =	sshll.u32 s1, $0x11  }
0xbb: {  	s0 =	sor.u32 s1, s0  }
0xbc: {  	s0 =	sadd.s32 $0x8F2B, s0  }
0xbd: {  	[sflag:s0] =	ssyncadd.remote.s32 $0x1  }
0xbe: {  	_ =	sfence.sel $0xFFFF  }
0xbf: {  	[dreg:$0x0] =	wrdreg $0xFFFFFFFF;
	(pc) =	sbr.abs _section_cstart, $3  }
0xc0: {  	[dreg:$0x1] =	wrdreg $0xFFFFFFFF  }
0xc1: {  	_ =	task.clear_ibuf [dreg:s7], $0x2FFFF;
	_ =	strace $0x9FFFFFFF  }
0xc2: {  	(tm) =	ssettm $0x7FFFFFFF  }
0xc3: {  	_ =	shalt  }
tec
execute0_lowered:
.L_overlay_start_1:
0x0: {  	(tag) =	ssettag $0x1  }
0x1: {  	s1 =	srdreg.scid  }
0x2: {  	s9 =	rddreg [dreg:$0x0];
	s0 =	stileid.u32;
	s19 =	sand.u32 $0x1, s1  }
0x3: {  	s18 =	rddreg [dreg:$0x1];
	s3 =	sshll.u32 s0, $0xB;
	s4 =	sshll.u32 s19, $0xA  }
0x4: {  	s2 =	simm.s32 $0x0;
	s1 =	rddreg [dreg:$0x2];
	s20 =	sor.u32 s4, s3  }
0x5: {  	[smem:$0x7FF] =	sst s2;
	s3 =	sshrl.u32 s20, $0x3  }
0x6: {  	_ =	strace $0x80000047;
	s4 =	simm.s32 $0x5;
	s3 =	sadd.s32 s18, s3  }
0x7: {  	[tilespmem:s2], [sflag:$0x5] =	stream.linear.gather [hbm4b:s3+s2], $0x100, $0x38;
	[tilespmem:$0x10200] =	vst v63  }
0x8: {  	_ =	swait.ge [sflag:s4], $0x100  }
0x9: {  	s6 =	simm.s32 $0x100;
	s7 =	simm.s32 $0x200;
	[sflag:s4] =	ssyncset.done $0x0  }
0xa: {  	s8 =	simm.s32 $0x1;
	s5 =	sadd.s32 $0x1000, s9;
	[sflag:s4] =	ssyncadd.s32 $0xFFFFFF00  }
0xb: {  	[tilespmem:s7], [sflag:$0x1] =	stream.indirect.gather [hbm4b:s5+s6], $0x80, s2, s6, $0xb8;
	[tilespmem:$0x10200] =	vst v63  }
0xc: {  	s21 =	sadd.s32 $0x30E400, s9;
	_ =	swait.ge [sflag:s8], $0x8000  }
0xd: {  	s29 =	sshll.u32 s20, $0x4;
	s13 =	sor.u32 $0x100, s20;
	[sflag:s8] =	ssyncset.done $0x0  }
0xe: {  	s9 =	sadd.s32 s21, s29;
	s10 =	sshrl.u32 s13, $0x3;
	[sflag:s8] =	ssyncadd.s32 $0xFFFF8000  }
0xf: {  	[hbm4b:s9+s2] =	stream.linear.scatter [tilespmem:s7], [sflag:$0x3], $0x8000, $0x38;
	[tilespmem:$0x10200] =	vst v63  }
0x10: {  	s10 =	sadd.s32 s18, s10  }
0x11: {  	[tilespmem:s6], [sflag:$0x5] =	stream.linear.gather [hbm4b:s10+s2], $0x100, $0x38;
	[tilespmem:$0x10200] =	vst v63  }
0x12: {  	_ =	swait.ge [sflag:s4], $0x100  }
0x13: {  	[sflag:s4] =	ssyncset.done $0x0  }
0x14: {  	s11 =	simm.s32 $0x8200;
	s12 =	simm.s32 $0x2;
	[sflag:s4] =	ssyncadd.s32 $0xFFFFFF00  }
0x15: {  	[tilespmem:s11], [sflag:$0x2] =	stream.indirect.gather [hbm4b:s5+s6], $0x80, s6, s6, $0xb8;
	[tilespmem:$0x10200] =	vst v63  }
0x16: {  	_ =	swait.ge [sflag:s12], $0x8000  }
0x17: {  	s13 =	sshll.u32 s13, $0x4;
	[sflag:s12] =	ssyncset.done $0x0  }
0x18: {  	s14 =	simm.s32 $0x3;
	s13 =	sadd.s32 s21, s13;
	[sflag:s12] =	ssyncadd.s32 $0xFFFF8000  }
0x19: {  	[hbm4b:s13+s2] =	stream.linear.scatter [tilespmem:s11], [sflag:$0x4], $0x8000, $0x38;
	[tilespmem:$0x10200] =	vst v63  }
0x1a: {  	s16 =	sor.u32 $0x200, s20;
	_ =	swait.ge [sflag:s14], $0x8000  }
0x1b: {  	s15 =	sshrl.u32 s16, $0x3;
	[sflag:s14] =	ssyncset.done $0x0  }
0x1c: {  	s15 =	sadd.s32 s18, s15;
	[sflag:s14] =	ssyncadd.s32 $0xFFFF8000  }
0x1d: {  	[tilespmem:s2], [sflag:$0x5] =	stream.linear.gather [hbm4b:s15+s2], $0x100, $0x38;
	[tilespmem:$0x10200] =	vst v63  }
0x1e: {  	_ =	swait.ge [sflag:s4], $0x100  }
0x1f: {  	[sflag:s4] =	ssyncset.done $0x0  }
0x20: {  	[sflag:s4] =	ssyncadd.s32 $0xFFFFFF00  }
0x21: {  	[tilespmem:s7], [sflag:$0x1] =	stream.indirect.gather [hbm4b:s5+s6], $0x80, s2, s6, $0xb8;
	[tilespmem:$0x10200] =	vst v63  }
0x22: {  	_ =	swait.ge [sflag:s8], $0x8000  }
0x23: {  	s16 =	sshll.u32 s16, $0x4;
	[sflag:s8] =	ssyncset.done $0x0  }
0x24: {  	s17 =	sadd.s32 s21, s16;
	s16 =	simm.s32 $0x4;
	[sflag:s8] =	ssyncadd.s32 $0xFFFF8000  }
0x25: {  	[hbm4b:s17+s2] =	stream.linear.scatter [tilespmem:s7], [sflag:$0x3], $0x8000, $0x38;
	[tilespmem:$0x10200] =	vst v63  }
0x26: {  	s20 =	sor.u32 $0x300, s20;
	_ =	swait.ge [sflag:s16], $0x8000  }
0x27: {  	s22 =	sshrl.u32 s20, $0x3;
	[sflag:s16] =	ssyncset.done $0x0  }
0x28: {  	s18 =	sadd.s32 s18, s22;
	[sflag:s16] =	ssyncadd.s32 $0xFFFF8000  }
0x29: {  	[tilespmem:s6], [sflag:$0x5] =	stream.linear.gather [hbm4b:s18+s2], $0x100, $0x38;
	[tilespmem:$0x10200] =	vst v63  }
0x2a: {  	_ =	swait.ge [sflag:s4], $0x100  }
0x2b: {  	s30 =	ssub.s32 $0x2, s19;
	[sflag:s4] =	ssyncset.done $0x0  }
0x2c: {  	s31 =	sshrl.u32 s30, $0x1;
	s20 =	sshll.u32 s20, $0x4;
	[sflag:s4] =	ssyncadd.s32 $0xFFFFFF00  }
0x2d: {  	[tilespmem:s11], [sflag:$0x2] =	stream.indirect.gather [hbm4b:s5+s6], $0x80, s6, s6, $0xb8;
	[tilespmem:$0x10200] =	vst v63  }
0x2e: {  	s19 =	sadd.s32 s21, s20;
	s20 =	ssub.s32 s30, s31;
	_ =	swait.ge [sflag:s12], $0x8000  }
0x2f: {  	s20 =	smax.u32 s20, $0x1;
	[sflag:s12] =	ssyncset.done $0x0  }
0x30: {  	p0 =	sne.s32 s20, $0x1;
	[sflag:s12] =	ssyncadd.s32 $0xFFFF8000  }
0x31: {  	[hbm4b:s19+s2] =	stream.linear.scatter [tilespmem:s11], [sflag:$0x4], $0x8000, $0x38;
	[tilespmem:$0x10200] =	vst v63  }
.Ltmp0:
0x32: {  	_ =	swait.ge [sflag:s14], $0x8000;
	(pc) =	sbr.rel @!p0 .LBB2_2-.Ltmp0, $4  }
0x33: {  	[sflag:s14] =	ssyncset.done $0x0  }
0x34: {  	[sflag:s14] =	ssyncadd.s32 $0xFFFF8000  }
0x35: {  	_ =	swait.ge [sflag:s16], $0x8000  }
0x36: {  	s20 =	sadd.s32 $0xFFFFFFFF, s20;
	[sflag:s16] =	ssyncset.done $0x0  }
.LBB2_1:
0x37: {  	p0 =	sne.s32 s20, $0x1;
	s20 =	sadd.s32 $0xFFFFFFFF, s20;
	[sflag:s16] =	ssyncadd.s32 $0xFFFF8000  }
0x38: {  	[tilespmem:s2], [sflag:$0x5] =	stream.linear.gather [hbm4b:s3+s2], $0x100, $0x38;
	[tilespmem:$0x10200] =	vst v63  }
0x39: {  	_ =	swait.ge [sflag:s4], $0x100  }
0x3a: {  	[sflag:s4] =	ssyncset.done $0x0  }
0x3b: {  	[sflag:s4] =	ssyncadd.s32 $0xFFFFFF00  }
0x3c: {  	[tilespmem:s7], [sflag:$0x1] =	stream.indirect.gather [hbm4b:s5+s6], $0x80, s2, s6, $0xb8;
	[tilespmem:$0x10200] =	vst v63  }
0x3d: {  	_ =	swait.ge [sflag:s8], $0x8000  }
0x3e: {  	[sflag:s8] =	ssyncset.done $0x0  }
0x3f: {  	[sflag:s8] =	ssyncadd.s32 $0xFFFF8000  }
0x40: {  	[hbm4b:s9+s2] =	stream.linear.scatter [tilespmem:s7], [sflag:$0x3], $0x8000, $0x38;
	[tilespmem:$0x10200] =	vst v63  }
0x41: {  	_ = 	snop  }
0x42: {  	[tilespmem:s6], [sflag:$0x5] =	stream.linear.gather [hbm4b:s10+s2], $0x100, $0x38;
	[tilespmem:$0x10200] =	vst v63  }
0x43: {  	_ =	swait.ge [sflag:s4], $0x100  }
0x44: {  	[sflag:s4] =	ssyncset.done $0x0  }
0x45: {  	[sflag:s4] =	ssyncadd.s32 $0xFFFFFF00  }
0x46: {  	[tilespmem:s11], [sflag:$0x2] =	stream.indirect.gather [hbm4b:s5+s6], $0x80, s6, s6, $0xb8;
	[tilespmem:$0x10200] =	vst v63  }
0x47: {  	_ =	swait.ge [sflag:s12], $0x8000  }
0x48: {  	[sflag:s12] =	ssyncset.done $0x0  }
0x49: {  	[sflag:s12] =	ssyncadd.s32 $0xFFFF8000  }
0x4a: {  	[hbm4b:s13+s2] =	stream.linear.scatter [tilespmem:s11], [sflag:$0x4], $0x8000, $0x38;
	[tilespmem:$0x10200] =	vst v63  }
0x4b: {  	_ =	swait.ge [sflag:s14], $0x8000  }
0x4c: {  	[sflag:s14] =	ssyncset.done $0x0  }
0x4d: {  	[sflag:s14] =	ssyncadd.s32 $0xFFFF8000  }
0x4e: {  	[tilespmem:s2], [sflag:$0x5] =	stream.linear.gather [hbm4b:s15+s2], $0x100, $0x38;
	[tilespmem:$0x10200] =	vst v63  }
0x4f: {  	_ =	swait.ge [sflag:s4], $0x100  }
0x50: {  	[sflag:s4] =	ssyncset.done $0x0  }
0x51: {  	[sflag:s4] =	ssyncadd.s32 $0xFFFFFF00  }
0x52: {  	[tilespmem:s7], [sflag:$0x1] =	stream.indirect.gather [hbm4b:s5+s6], $0x80, s2, s6, $0xb8;
	[tilespmem:$0x10200] =	vst v63  }
0x53: {  	_ =	swait.ge [sflag:s8], $0x8000  }
0x54: {  	[sflag:s8] =	ssyncset.done $0x0  }
0x55: {  	[sflag:s8] =	ssyncadd.s32 $0xFFFF8000  }
0x56: {  	[hbm4b:s17+s2] =	stream.linear.scatter [tilespmem:s7], [sflag:$0x3], $0x8000, $0x38;
	[tilespmem:$0x10200] =	vst v63  }
0x57: {  	_ =	swait.ge [sflag:s16], $0x8000  }
0x58: {  	[sflag:s16] =	ssyncset.done $0x0  }
0x59: {  	[sflag:s16] =	ssyncadd.s32 $0xFFFF8000  }
0x5a: {  	[tilespmem:s6], [sflag:$0x5] =	stream.linear.gather [hbm4b:s18+s2], $0x100, $0x38;
	[tilespmem:$0x10200] =	vst v63  }
0x5b: {  	_ =	swait.ge [sflag:s4], $0x100  }
0x5c: {  	[sflag:s4] =	ssyncset.done $0x0  }
0x5d: {  	[sflag:s4] =	ssyncadd.s32 $0xFFFFFF00  }
0x5e: {  	[tilespmem:s11], [sflag:$0x2] =	stream.indirect.gather [hbm4b:s5+s6], $0x80, s6, s6, $0xb8;
	[tilespmem:$0x10200] =	vst v63  }
0x5f: {  	_ =	swait.ge [sflag:s12], $0x8000  }
0x60: {  	[sflag:s12] =	ssyncset.done $0x0  }
0x61: {  	[sflag:s12] =	ssyncadd.s32 $0xFFFF8000  }
0x62: {  	[hbm4b:s19+s2] =	stream.linear.scatter [tilespmem:s11], [sflag:$0x4], $0x8000, $0x38;
	[tilespmem:$0x10200] =	vst v63  }
.Ltmp1:
0x63: {  	_ =	swait.ge [sflag:s14], $0x8000;
	(pc) =	sbr.rel @p0 .LBB2_1-.Ltmp1, $4  }
0x64: {  	[sflag:s14] =	ssyncset.done $0x0  }
0x65: {  	[sflag:s14] =	ssyncadd.s32 $0xFFFF8000  }
0x66: {  	_ =	swait.ge [sflag:s16], $0x8000  }
0x67: {  	[sflag:s16] =	ssyncset.done $0x0  }
.LBB2_2:
0x68: {  	[sflag:s16] =	ssyncadd.s32 $0xFFFF8000  }
0x69: {  	_ =	sfence.sel $0x180000  }
0x6a: {  	[bflag:$0x0] =	sbarrier.arrive $0xFFFF  }
0x6b: {  	p0 =	sne.s32 s0, $0x0;
	_ =	strace $0x90000047  }
0x6c: {  	s0 =	sadd.s32 @!p0 $0x100000, s1;
	[bflag:$0x2] =	sbarrier.arrive $0xFFFF  }
0x6d: {  	[sflag:s0] =	ssyncadd.tile.s32 @!p0 $0x1;
	_ =	shalt  }
.Lfunc_end2:
_tile_overlayer_lowered:
.L_overlay_start_2:
0x6e: {  	(tag) =	ssettag $0x2  }
0x6f: {  	s0 =	rddreg [dreg:$0x0];
	s2 =	stileid.u32  }
0x70: {  	s1 =	rddreg [dreg:$0x1];
	p0 =	sne.s32 s2, $0x0  }
0x71: {  	s3 =	rddreg [dreg:$0x2];
	[bflag:$0x3] =	sbarrier.arrive $0xFFFF;
	s2 =	simm.s32 @!p0 $0x1C05  }
0x72: {  	[timem:s3], [sflag:s2] =	dma.local @!p0 [hbm:s0], s1  }
0x73: {  	s0 =	simm.s32 @!p0 $0x5  }
0x74: {  	_ =	swait.ge @!p0 [sflag:s0], s1  }
0x75: {  	s1 =	ssub.s32 @!p0 $0x0, s1;
	[sflag:s0] =	ssyncset.done @!p0 $0x0  }
0x76: {  	[sflag:s0] =	ssyncadd.s32 @!p0 s1  }
0x77: {  	[bflag:$0x3] =	sbarrier.arrive $0xFFFF  }
0x78: {  	_ =	shalt  }

</sc_bundles>
